<compile_context>
chip_gen: v7x
topology: tpu7x:2x2x1
jax: 0.10.2.dev20260603
libtpu: 0.0.44.dev20260713+nightly
codegen_flags: <defaults>
</compile_context>

<pallas_src>
import functools
import jax
import jax.numpy as jnp
from jax import lax
from jax.experimental import pallas as pl
from jax.experimental.pallas import tpu as pltpu
from jax.experimental.pallas import tpu_sc as plsc

LAT = 128
_B = 64
_NS = 16

def _fill_body(out_ref):
    pos = lax.broadcasted_iota(jnp.int32, (_B, LAT, LAT), 1) * LAT + \
        lax.broadcasted_iota(jnp.int32, (_B, LAT, LAT), 2)
    out_ref[...] = jnp.where(pos == 0, 1.0, 0.0).reshape(_B, 1, LAT, LAT)


def _tc_fill(n):
    g = n // _B
    return pl.pallas_call(
        _fill_body,
        grid=(g,),
        out_specs=pl.BlockSpec((_B, 1, LAT, LAT), lambda i: (i, 0, 0, 0)),
        out_shape=jax.ShapeDtypeStruct((n, 1, LAT, LAT), jnp.float32),
    )()


def _make_sc_scatter(n):
    bpw = n // _NS
    ndma = bpw // 128
    mesh = plsc.VectorSubcoreMesh(
        core_axis_name="c", subcore_axis_name="s", num_cores=1)

    @functools.partial(
        pl.kernel,
        mesh=mesh,
        scratch_types=[
            pltpu.VMEM((bpw,), jnp.float32),
            pltpu.VMEM((bpw,), jnp.float32),
            [pltpu.VMEM((128,), jnp.int32) for _ in range(ndma)],
            pltpu.VMEM((128,), jnp.float32),
            pltpu.SemaphoreType.DMA,
            pltpu.SemaphoreType.DMA,
        ],
    )
    def sc_scatter(xs_hbm, ys_hbm, masks_ref,
                   xs_v, ys_v, idx_vs, val_v, sem_in, sem_out):
        wid = lax.axis_index("s")
        base = wid * bpw
        lx = pltpu.async_copy(xs_hbm.at[pl.ds(base, bpw)], xs_v, sem_in)
        ly = pltpu.async_copy(ys_hbm.at[pl.ds(base, bpw)], ys_v, sem_in)
        for j in range(8):
            val_v[pl.ds(j * 16, 16)] = jnp.full((16,), -1.0, jnp.float32)
        lx.wait()
        ly.wait()
        for j in range(bpw // 16):
            xs = xs_v[pl.ds(j * 16, 16)].astype(jnp.int32)
            ys = ys_v[pl.ds(j * 16, 16)].astype(jnp.int32)
            cfg = base + j * 16 + lax.iota(jnp.int32, 16)
            idx_vs[j // 8][pl.ds((j % 8) * 16, 16)] = \
                cfg * (LAT * LAT) + ys * LAT + xs
        stores = [
            pltpu.async_copy(val_v, masks_ref.at[idx_vs[d]], sem_out)
            for d in range(ndma)
        ]
        for c in stores:
            c.wait()

    return sc_scatter


@jax.jit
def _run(x_seps, y_seps):
    n = x_seps.shape[0]
    filled = _tc_fill(n)
    flat = jax.new_ref(filled.reshape(n * LAT * LAT))
    _make_sc_scatter(n)(x_seps, y_seps, flat)
    return jax.freeze(flat).reshape(n, 1, LAT, LAT)


def kernel(x_seps, y_seps):
    return _run(x_seps, y_seps)

# --- scband reference (transcript-rebuilt; emitter-appended) ---
"""Pipeline reference for scband-conv-net-73065983639636 (READ-ONLY COPY).

The authoritative reference and input builder live on the scoring server;
editing this copy changes nothing except your own understanding.
"""

import jax, jax.numpy as jnp
import numpy as np

LAT_SIZE = 128
N_CONFIGS = 4096


def setup_inputs(seed: int = 0) -> dict:
    key = jax.random.key(seed)
    k1, k2 = jax.random.split(key)
    # separations are float tensors (the torch module calls .long() on them); values in [0, L)
    x_seps = jax.random.randint(k1, (N_CONFIGS,), 0, LAT_SIZE).astype(jnp.float32)
    y_seps = jax.random.randint(k2, (N_CONFIGS,), 0, LAT_SIZE).astype(jnp.float32)
    return {"x_seps": x_seps, "y_seps": y_seps}


def reference(x_seps, y_seps):
    """Faithful jax translation of ConvNet.get_masks.

    Builds (N,1,L,L) zero masks, sets +1 at (0,0) and -1 at (y_sep, x_sep)
    for each of the N configurations (scatter-overwrite semantics; the -1
    write overwrites the +1 when y==x==0, matching torch assignment order).
    """
    N = x_seps.shape[0]
    masks = jnp.zeros((N, 1, LAT_SIZE, LAT_SIZE), dtype=jnp.float32)
    order = jnp.arange(N)
    yi = y_seps.astype(jnp.int32)
    xi = x_seps.astype(jnp.int32)
    masks = masks.at[order, 0, 0, 0].set(1.0)
    masks = masks.at[order, 0, yi, xi].set(-1.0)
    return masks

if __name__ == "__main__":
    import jax
    _d = setup_inputs()
    print(jax.jit(kernel)(*tuple(_d.values())))

</pallas_src>

<mosaic_0001>
#map = affine_map<(d0, d1) -> (0)>
module attributes {stable_mosaic.version = 14 : i64} {
  func.func @new_body(%arg0: i32, %arg1: i32, %arg2: memref<4096xf32, #tpu.memory_space<hbm>>, %arg3: memref<4096xf32, #tpu.memory_space<hbm>>, %arg4: memref<67108864xf32, #tpu.memory_space<hbm>>, %arg5: memref<67108864xf32, #tpu.memory_space<hbm>>, %arg6: memref<256xf32, #tpu.memory_space<vmem>>, %arg7: memref<256xf32, #tpu.memory_space<vmem>>, %arg8: memref<128xi32, #tpu.memory_space<vmem>>, %arg9: memref<128xi32, #tpu.memory_space<vmem>>, %arg10: memref<128xf32, #tpu.memory_space<vmem>>, %arg11: memref<!tpu.dma_semaphore, #tpu.memory_space<semaphore_mem>>, %arg12: memref<!tpu.dma_semaphore, #tpu.memory_space<semaphore_mem>>) attributes {dimension_semantics = [#tpu.dimension_semantics<core_parallel>, #tpu.dimension_semantics<subcore_parallel>], iteration_bounds = array<i64: 1, 16>, scalar_prefetch = 0 : i64, scratch_operands = 7 : i64, tpu.core_type = #tpu.core_type<sc_vector_subcore>, window_params = [{transform_indices = #map}, {transform_indices = #map}, {transform_indices = #map}, {transform_indices = #map}]} {
    %mul3A = arith.constant 256 : i32
    %mul3A_0 = arith.muli %arg1, %mul3A : i32
    %dma_start3A = tpu.memref_slice %arg2[%mul3A_0] : memref<4096xf32, #tpu.memory_space<hbm>> -> memref<256xf32, #tpu.memory_space<hbm>>
    %dma_start3A_1 = tpu.memref_slice %arg2[%mul3A_0] : memref<4096xf32, #tpu.memory_space<hbm>> -> memref<256xf32, #tpu.memory_space<hbm>>
    tpu.enqueue_dma source(%dma_start3A_1 : memref<256xf32, #tpu.memory_space<hbm>>) target(%arg6 : memref<256xf32, #tpu.memory_space<vmem>>) target_semaphore(%arg11 : memref<!tpu.dma_semaphore, #tpu.memory_space<semaphore_mem>>)
    %dma_start3A_2 = tpu.memref_slice %arg3[%mul3A_0] : memref<4096xf32, #tpu.memory_space<hbm>> -> memref<256xf32, #tpu.memory_space<hbm>>
    %dma_start3A_3 = tpu.memref_slice %arg3[%mul3A_0] : memref<4096xf32, #tpu.memory_space<hbm>> -> memref<256xf32, #tpu.memory_space<hbm>>
    tpu.enqueue_dma source(%dma_start3A_3 : memref<256xf32, #tpu.memory_space<hbm>>) target(%arg7 : memref<256xf32, #tpu.memory_space<vmem>>) target_semaphore(%arg11 : memref<!tpu.dma_semaphore, #tpu.memory_space<semaphore_mem>>)
    %broadcast_in_dim3A = arith.constant -1.000000e+00 : f32
    %broadcast_in_dim3A_4 = vector.broadcast %broadcast_in_dim3A : f32 to vector<16xf32>
    %swap3A = arith.constant 0 : index
    %swap3A_5 = tpu.vector_load %arg10[%swap3A] {strides = array<i32>} : memref<128xf32, #tpu.memory_space<vmem>>, vector<16xf32>,
    %swap3A_6 = vector.shape_cast %swap3A_5 : vector<16xf32> to vector<16xf32>
    %swap3A_7 = vector.shape_cast %broadcast_in_dim3A_4 : vector<16xf32> to vector<16xf32>
    tpu.vector_store %arg10[%swap3A], %swap3A_7 {strides = array<i32>} : memref<128xf32, #tpu.memory_space<vmem>>, vector<16xf32>,
    %broadcast_in_dim3A_8 = arith.constant -1.000000e+00 : f32
    %broadcast_in_dim3A_9 = vector.broadcast %broadcast_in_dim3A_8 : f32 to vector<16xf32>
    %swap3A_10 = arith.constant 16 : index
    %swap3A_11 = tpu.vector_load %arg10[%swap3A_10] {strides = array<i32>} : memref<128xf32, #tpu.memory_space<vmem>>, vector<16xf32>,
    %swap3A_12 = vector.shape_cast %swap3A_11 : vector<16xf32> to vector<16xf32>
    %swap3A_13 = vector.shape_cast %broadcast_in_dim3A_9 : vector<16xf32> to vector<16xf32>
    tpu.vector_store %arg10[%swap3A_10], %swap3A_13 {strides = array<i32>} : memref<128xf32, #tpu.memory_space<vmem>>, vector<16xf32>,
    %broadcast_in_dim3A_14 = arith.constant -1.000000e+00 : f32
    %broadcast_in_dim3A_15 = vector.broadcast %broadcast_in_dim3A_14 : f32 to vector<16xf32>
    %swap3A_16 = arith.constant 32 : index
    %swap3A_17 = tpu.vector_load %arg10[%swap3A_16] {strides = array<i32>} : memref<128xf32, #tpu.memory_space<vmem>>, vector<16xf32>,
    %swap3A_18 = vector.shape_cast %swap3A_17 : vector<16xf32> to vector<16xf32>
    %swap3A_19 = vector.shape_cast %broadcast_in_dim3A_15 : vector<16xf32> to vector<16xf32>
    tpu.vector_store %arg10[%swap3A_16], %swap3A_19 {strides = array<i32>} : memref<128xf32, #tpu.memory_space<vmem>>, vector<16xf32>,
    %broadcast_in_dim3A_20 = arith.constant -1.000000e+00 : f32
    %broadcast_in_dim3A_21 = vector.broadcast %broadcast_in_dim3A_20 : f32 to vector<16xf32>
    %swap3A_22 = arith.constant 48 : index
    %swap3A_23 = tpu.vector_load %arg10[%swap3A_22] {strides = array<i32>} : memref<128xf32, #tpu.memory_space<vmem>>, vector<16xf32>,
    %swap3A_24 = vector.shape_cast %swap3A_23 : vector<16xf32> to vector<16xf32>
    %swap3A_25 = vector.shape_cast %broadcast_in_dim3A_21 : vector<16xf32> to vector<16xf32>
    tpu.vector_store %arg10[%swap3A_22], %swap3A_25 {strides = array<i32>} : memref<128xf32, #tpu.memory_space<vmem>>, vector<16xf32>,
    %broadcast_in_dim3A_26 = arith.constant -1.000000e+00 : f32
    %broadcast_in_dim3A_27 = vector.broadcast %broadcast_in_dim3A_26 : f32 to vector<16xf32>
    %swap3A_28 = arith.constant 64 : index
    %swap3A_29 = tpu.vector_load %arg10[%swap3A_28] {strides = array<i32>} : memref<128xf32, #tpu.memory_space<vmem>>, vector<16xf32>,
    %swap3A_30 = vector.shape_cast %swap3A_29 : vector<16xf32> to vector<16xf32>
    %swap3A_31 = vector.shape_cast %broadcast_in_dim3A_27 : vector<16xf32> to vector<16xf32>
    tpu.vector_store %arg10[%swap3A_28], %swap3A_31 {strides = array<i32>} : memref<128xf32, #tpu.memory_space<vmem>>, vector<16xf32>,
    %broadcast_in_dim3A_32 = arith.constant -1.000000e+00 : f32
    %broadcast_in_dim3A_33 = vector.broadcast %broadcast_in_dim3A_32 : f32 to vector<16xf32>
    %swap3A_34 = arith.constant 80 : index
    %swap3A_35 = tpu.vector_load %arg10[%swap3A_34] {strides = array<i32>} : memref<128xf32, #tpu.memory_space<vmem>>, vector<16xf32>,
    %swap3A_36 = vector.shape_cast %swap3A_35 : vector<16xf32> to vector<16xf32>
    %swap3A_37 = vector.shape_cast %broadcast_in_dim3A_33 : vector<16xf32> to vector<16xf32>
    tpu.vector_store %arg10[%swap3A_34], %swap3A_37 {strides = array<i32>} : memref<128xf32, #tpu.memory_space<vmem>>, vector<16xf32>,
    %broadcast_in_dim3A_38 = arith.constant -1.000000e+00 : f32
    %broadcast_in_dim3A_39 = vector.broadcast %broadcast_in_dim3A_38 : f32 to vector<16xf32>
    %swap3A_40 = arith.constant 96 : index
    %swap3A_41 = tpu.vector_load %arg10[%swap3A_40] {strides = array<i32>} : memref<128xf32, #tpu.memory_space<vmem>>, vector<16xf32>,
    %swap3A_42 = vector.shape_cast %swap3A_41 : vector<16xf32> to vector<16xf32>
    %swap3A_43 = vector.shape_cast %broadcast_in_dim3A_39 : vector<16xf32> to vector<16xf32>
    tpu.vector_store %arg10[%swap3A_40], %swap3A_43 {strides = array<i32>} : memref<128xf32, #tpu.memory_space<vmem>>, vector<16xf32>,
    %broadcast_in_dim3A_44 = arith.constant -1.000000e+00 : f32
    %broadcast_in_dim3A_45 = vector.broadcast %broadcast_in_dim3A_44 : f32 to vector<16xf32>
    %swap3A_46 = arith.constant 112 : index
    %swap3A_47 = tpu.vector_load %arg10[%swap3A_46] {strides = array<i32>} : memref<128xf32, #tpu.memory_space<vmem>>, vector<16xf32>,
    %swap3A_48 = vector.shape_cast %swap3A_47 : vector<16xf32> to vector<16xf32>
    %swap3A_49 = vector.shape_cast %broadcast_in_dim3A_45 : vector<16xf32> to vector<16xf32>
    tpu.vector_store %arg10[%swap3A_46], %swap3A_49 {strides = array<i32>} : memref<128xf32, #tpu.memory_space<vmem>>, vector<16xf32>,
    %dma_wait3A = tpu.memref_slice %arg2[%mul3A_0] : memref<4096xf32, #tpu.memory_space<hbm>> -> memref<256xf32, #tpu.memory_space<hbm>>
    %dma_wait3A_50 = tpu.memref_slice %arg2[%mul3A_0] : memref<4096xf32, #tpu.memory_space<hbm>> -> memref<256xf32, #tpu.memory_space<hbm>>
    tpu.wait_dma2 semaphore(%arg11 : memref<!tpu.dma_semaphore, #tpu.memory_space<semaphore_mem>>) src(%dma_wait3A_50 : memref<256xf32, #tpu.memory_space<hbm>>) dst(%arg6 : memref<256xf32, #tpu.memory_space<vmem>>)
    %dma_wait3A_51 = tpu.memref_slice %arg3[%mul3A_0] : memref<4096xf32, #tpu.memory_space<hbm>> -> memref<256xf32, #tpu.memory_space<hbm>>
    %dma_wait3A_52 = tpu.memref_slice %arg3[%mul3A_0] : memref<4096xf32, #tpu.memory_space<hbm>> -> memref<256xf32, #tpu.memory_space<hbm>>
    tpu.wait_dma2 semaphore(%arg11 : memref<!tpu.dma_semaphore, #tpu.memory_space<semaphore_mem>>) src(%dma_wait3A_52 : memref<256xf32, #tpu.memory_space<hbm>>) dst(%arg7 : memref<256xf32, #tpu.memory_space<vmem>>)
    %get3A = arith.constant 0 : index
    %get3A_53 = tpu.vector_load %arg6[%get3A] {strides = array<i32>} : memref<256xf32, #tpu.memory_space<vmem>>, vector<16xf32>,
    %get3A_54 = vector.shape_cast %get3A_53 : vector<16xf32> to vector<16xf32>
    %convert_element_type3A = arith.fptosi %get3A_54 : vector<16xf32> to vector<16xi32>
    %get3A_55 = arith.constant 0 : index
    %get3A_56 = tpu.vector_load %arg7[%get3A_55] {strides = array<i32>} : memref<256xf32, #tpu.memory_space<vmem>>, vector<16xf32>,
    %get3A_57 = vector.shape_cast %get3A_56 : vector<16xf32> to vector<16xf32>
    %convert_element_type3A_58 = arith.fptosi %get3A_57 : vector<16xf32> to vector<16xi32>
    %add3A = arith.constant 0 : i32
    %add3A_59 = arith.addi %mul3A_0, %add3A : i32
    %iota3A = tpu.iota {dimensions = array<i32: 0>} : vector<16xi32>
    %add3A_60 = vector.broadcast %add3A_59 : i32 to vector<16xi32>
    %add3A_61 = arith.addi %add3A_60, %iota3A : vector<16xi32>
    %mul3A_62 = arith.constant 16384 : i32
    %mul3A_63 = vector.broadcast %mul3A_62 : i32 to vector<16xi32>
    %mul3A_64 = arith.muli %add3A_61, %mul3A_63 : vector<16xi32>
    %mul3A_65 = arith.constant 128 : i32
    %mul3A_66 = vector.broadcast %mul3A_65 : i32 to vector<16xi32>
    %mul3A_67 = arith.muli %convert_element_type3A_58, %mul3A_66 : vector<16xi32>
    %add3A_68 = arith.addi %mul3A_64, %mul3A_67 : vector<16xi32>
    %add3A_69 = arith.addi %add3A_68, %convert_element_type3A : vector<16xi32>
    %swap3A_70 = arith.constant 0 : index
    %swap3A_71 = tpu.vector_load %arg8[%swap3A_70] {strides = array<i32>} : memref<128xi32, #tpu.memory_space<vmem>>, vector<16xi32>,
    %swap3A_72 = vector.shape_cast %swap3A_71 : vector<16xi32> to vector<16xi32>
    %swap3A_73 = vector.shape_cast %add3A_69 : vector<16xi32> to vector<16xi32>
    tpu.vector_store %arg8[%swap3A_70], %swap3A_73 {strides = array<i32>} : memref<128xi32, #tpu.memory_space<vmem>>, vector<16xi32>,
    %get3A_74 = arith.constant 16 : index
    %get3A_75 = tpu.vector_load %arg6[%get3A_74] {strides = array<i32>} : memref<256xf32, #tpu.memory_space<vmem>>, vector<16xf32>,
    %get3A_76 = vector.shape_cast %get3A_75 : vector<16xf32> to vector<16xf32>
    %convert_element_type3A_77 = arith.fptosi %get3A_76 : vector<16xf32> to vector<16xi32>
    %get3A_78 = arith.constant 16 : index
    %get3A_79 = tpu.vector_load %arg7[%get3A_78] {strides = array<i32>} : memref<256xf32, #tpu.memory_space<vmem>>, vector<16xf32>,
    %get3A_80 = vector.shape_cast %get3A_79 : vector<16xf32> to vector<16xf32>
    %convert_element_type3A_81 = arith.fptosi %get3A_80 : vector<16xf32> to vector<16xi32>
    %add3A_82 = arith.constant 16 : i32
    %add3A_83 = arith.addi %mul3A_0, %add3A_82 : i32
    %iota3A_84 = tpu.iota {dimensions = array<i32: 0>} : vector<16xi32>
    %add3A_85 = vector.broadcast %add3A_83 : i32 to vector<16xi32>
    %add3A_86 = arith.addi %add3A_85, %iota3A_84 : vector<16xi32>
    %mul3A_87 = arith.constant 16384 : i32
    %mul3A_88 = vector.broadcast %mul3A_87 : i32 to vector<16xi32>
    %mul3A_89 = arith.muli %add3A_86, %mul3A_88 : vector<16xi32>
    %mul3A_90 = arith.constant 128 : i32
    %mul3A_91 = vector.broadcast %mul3A_90 : i32 to vector<16xi32>
    %mul3A_92 = arith.muli %convert_element_type3A_81, %mul3A_91 : vector<16xi32>
    %add3A_93 = arith.addi %mul3A_89, %mul3A_92 : vector<16xi32>
    %add3A_94 = arith.addi %add3A_93, %convert_element_type3A_77 : vector<16xi32>
    %swap3A_95 = arith.constant 16 : index
    %swap3A_96 = tpu.vector_load %arg8[%swap3A_95] {strides = array<i32>} : memref<128xi32, #tpu.memory_space<vmem>>, vector<16xi32>,
    %swap3A_97 = vector.shape_cast %swap3A_96 : vector<16xi32> to vector<16xi32>
    %swap3A_98 = vector.shape_cast %add3A_94 : vector<16xi32> to vector<16xi32>
    tpu.vector_store %arg8[%swap3A_95], %swap3A_98 {strides = array<i32>} : memref<128xi32, #tpu.memory_space<vmem>>, vector<16xi32>,
    %get3A_99 = arith.constant 32 : index
    %get3A_100 = tpu.vector_load %arg6[%get3A_99] {strides = array<i32>} : memref<256xf32, #tpu.memory_space<vmem>>, vector<16xf32>,
    %get3A_101 = vector.shape_cast %get3A_100 : vector<16xf32> to vector<16xf32>
    %convert_element_type3A_102 = arith.fptosi %get3A_101 : vector<16xf32> to vector<16xi32>
    %get3A_103 = arith.constant 32 : index
    %get3A_104 = tpu.vector_load %arg7[%get3A_103] {strides = array<i32>} : memref<256xf32, #tpu.memory_space<vmem>>, vector<16xf32>,
    %get3A_105 = vector.shape_cast %get3A_104 : vector<16xf32> to vector<16xf32>
    %convert_element_type3A_106 = arith.fptosi %get3A_105 : vector<16xf32> to vector<16xi32>
    %add3A_107 = arith.constant 32 : i32
    %add3A_108 = arith.addi %mul3A_0, %add3A_107 : i32
    %iota3A_109 = tpu.iota {dimensions = array<i32: 0>} : vector<16xi32>
    %add3A_110 = vector.broadcast %add3A_108 : i32 to vector<16xi32>
    %add3A_111 = arith.addi %add3A_110, %iota3A_109 : vector<16xi32>
    %mul3A_112 = arith.constant 16384 : i32
    %mul3A_113 = vector.broadcast %mul3A_112 : i32 to vector<16xi32>
    %mul3A_114 = arith.muli %add3A_111, %mul3A_113 : vector<16xi32>
    %mul3A_115 = arith.constant 128 : i32
    %mul3A_116 = vector.broadcast %mul3A_115 : i32 to vector<16xi32>
    %mul3A_117 = arith.muli %convert_element_type3A_106, %mul3A_116 : vector<16xi32>
    %add3A_118 = arith.addi %mul3A_114, %mul3A_117 : vector<16xi32>
    %add3A_119 = arith.addi %add3A_118, %convert_element_type3A_102 : vector<16xi32>
    %swap3A_120 = arith.constant 32 : index
    %swap3A_121 = tpu.vector_load %arg8[%swap3A_120] {strides = array<i32>} : memref<128xi32, #tpu.memory_space<vmem>>, vector<16xi32>,
    %swap3A_122 = vector.shape_cast %swap3A_121 : vector<16xi32> to vector<16xi32>
    %swap3A_123 = vector.shape_cast %add3A_119 : vector<16xi32> to vector<16xi32>
    tpu.vector_store %arg8[%swap3A_120], %swap3A_123 {strides = array<i32>} : memref<128xi32, #tpu.memory_space<vmem>>, vector<16xi32>,
    %get3A_124 = arith.constant 48 : index
    %get3A_125 = tpu.vector_load %arg6[%get3A_124] {strides = array<i32>} : memref<256xf32, #tpu.memory_space<vmem>>, vector<16xf32>,
    %get3A_126 = vector.shape_cast %get3A_125 : vector<16xf32> to vector<16xf32>
    %convert_element_type3A_127 = arith.fptosi %get3A_126 : vector<16xf32> to vector<16xi32>
    %get3A_128 = arith.constant 48 : index
    %get3A_129 = tpu.vector_load %arg7[%get3A_128] {strides = array<i32>} : memref<256xf32, #tpu.memory_space<vmem>>, vector<16xf32>,
    %get3A_130 = vector.shape_cast %get3A_129 : vector<16xf32> to vector<16xf32>
    %convert_element_type3A_131 = arith.fptosi %get3A_130 : vector<16xf32> to vector<16xi32>
    %add3A_132 = arith.constant 48 : i32
    %add3A_133 = arith.addi %mul3A_0, %add3A_132 : i32
    %iota3A_134 = tpu.iota {dimensions = array<i32: 0>} : vector<16xi32>
    %add3A_135 = vector.broadcast %add3A_133 : i32 to vector<16xi32>
    %add3A_136 = arith.addi %add3A_135, %iota3A_134 : vector<16xi32>
    %mul3A_137 = arith.constant 16384 : i32
    %mul3A_138 = vector.broadcast %mul3A_137 : i32 to vector<16xi32>
    %mul3A_139 = arith.muli %add3A_136, %mul3A_138 : vector<16xi32>
    %mul3A_140 = arith.constant 128 : i32
    %mul3A_141 = vector.broadcast %mul3A_140 : i32 to vector<16xi32>
    %mul3A_142 = arith.muli %convert_element_type3A_131, %mul3A_141 : vector<16xi32>
    %add3A_143 = arith.addi %mul3A_139, %mul3A_142 : vector<16xi32>
    %add3A_144 = arith.addi %add3A_143, %convert_element_type3A_127 : vector<16xi32>
    %swap3A_145 = arith.constant 48 : index
    %swap3A_146 = tpu.vector_load %arg8[%swap3A_145] {strides = array<i32>} : memref<128xi32, #tpu.memory_space<vmem>>, vector<16xi32>,
    %swap3A_147 = vector.shape_cast %swap3A_146 : vector<16xi32> to vector<16xi32>
    %swap3A_148 = vector.shape_cast %add3A_144 : vector<16xi32> to vector<16xi32>
    tpu.vector_store %arg8[%swap3A_145], %swap3A_148 {strides = array<i32>} : memref<128xi32, #tpu.memory_space<vmem>>, vector<16xi32>,
    %get3A_149 = arith.constant 64 : index
    %get3A_150 = tpu.vector_load %arg6[%get3A_149] {strides = array<i32>} : memref<256xf32, #tpu.memory_space<vmem>>, vector<16xf32>,
    %get3A_151 = vector.shape_cast %get3A_150 : vector<16xf32> to vector<16xf32>
    %convert_element_type3A_152 = arith.fptosi %get3A_151 : vector<16xf32> to vector<16xi32>
    %get3A_153 = arith.constant 64 : index
    %get3A_154 = tpu.vector_load %arg7[%get3A_153] {strides = array<i32>} : memref<256xf32, #tpu.memory_space<vmem>>, vector<16xf32>,
    %get3A_155 = vector.shape_cast %get3A_154 : vector<16xf32> to vector<16xf32>
    %convert_element_type3A_156 = arith.fptosi %get3A_155 : vector<16xf32> to vector<16xi32>
    %add3A_157 = arith.constant 64 : i32
    %add3A_158 = arith.addi %mul3A_0, %add3A_157 : i32
    %iota3A_159 = tpu.iota {dimensions = array<i32: 0>} : vector<16xi32>
    %add3A_160 = vector.broadcast %add3A_158 : i32 to vector<16xi32>
    %add3A_161 = arith.addi %add3A_160, %iota3A_159 : vector<16xi32>
    %mul3A_162 = arith.constant 16384 : i32
    %mul3A_163 = vector.broadcast %mul3A_162 : i32 to vector<16xi32>
    %mul3A_164 = arith.muli %add3A_161, %mul3A_163 : vector<16xi32>
    %mul3A_165 = arith.constant 128 : i32
    %mul3A_166 = vector.broadcast %mul3A_165 : i32 to vector<16xi32>
    %mul3A_167 = arith.muli %convert_element_type3A_156, %mul3A_166 : vector<16xi32>
    %add3A_168 = arith.addi %mul3A_164, %mul3A_167 : vector<16xi32>
    %add3A_169 = arith.addi %add3A_168, %convert_element_type3A_152 : vector<16xi32>
    %swap3A_170 = arith.constant 64 : index
    %swap3A_171 = tpu.vector_load %arg8[%swap3A_170] {strides = array<i32>} : memref<128xi32, #tpu.memory_space<vmem>>, vector<16xi32>,
    %swap3A_172 = vector.shape_cast %swap3A_171 : vector<16xi32> to vector<16xi32>
    %swap3A_173 = vector.shape_cast %add3A_169 : vector<16xi32> to vector<16xi32>
    tpu.vector_store %arg8[%swap3A_170], %swap3A_173 {strides = array<i32>} : memref<128xi32, #tpu.memory_space<vmem>>, vector<16xi32>,
    %get3A_174 = arith.constant 80 : index
    %get3A_175 = tpu.vector_load %arg6[%get3A_174] {strides = array<i32>} : memref<256xf32, #tpu.memory_space<vmem>>, vector<16xf32>,
    %get3A_176 = vector.shape_cast %get3A_175 : vector<16xf32> to vector<16xf32>
    %convert_element_type3A_177 = arith.fptosi %get3A_176 : vector<16xf32> to vector<16xi32>
    %get3A_178 = arith.constant 80 : index
    %get3A_179 = tpu.vector_load %arg7[%get3A_178] {strides = array<i32>} : memref<256xf32, #tpu.memory_space<vmem>>, vector<16xf32>,
    %get3A_180 = vector.shape_cast %get3A_179 : vector<16xf32> to vector<16xf32>
    %convert_element_type3A_181 = arith.fptosi %get3A_180 : vector<16xf32> to vector<16xi32>
    %add3A_182 = arith.constant 80 : i32
    %add3A_183 = arith.addi %mul3A_0, %add3A_182 : i32
    %iota3A_184 = tpu.iota {dimensions = array<i32: 0>} : vector<16xi32>
    %add3A_185 = vector.broadcast %add3A_183 : i32 to vector<16xi32>
    %add3A_186 = arith.addi %add3A_185, %iota3A_184 : vector<16xi32>
    %mul3A_187 = arith.constant 16384 : i32
    %mul3A_188 = vector.broadcast %mul3A_187 : i32 to vector<16xi32>
    %mul3A_189 = arith.muli %add3A_186, %mul3A_188 : vector<16xi32>
    %mul3A_190 = arith.constant 128 : i32
    %mul3A_191 = vector.broadcast %mul3A_190 : i32 to vector<16xi32>
    %mul3A_192 = arith.muli %convert_element_type3A_181, %mul3A_191 : vector<16xi32>
    %add3A_193 = arith.addi %mul3A_189, %mul3A_192 : vector<16xi32>
    %add3A_194 = arith.addi %add3A_193, %convert_element_type3A_177 : vector<16xi32>
    %swap3A_195 = arith.constant 80 : index
    %swap3A_196 = tpu.vector_load %arg8[%swap3A_195] {strides = array<i32>} : memref<128xi32, #tpu.memory_space<vmem>>, vector<16xi32>,
    %swap3A_197 = vector.shape_cast %swap3A_196 : vector<16xi32> to vector<16xi32>
    %swap3A_198 = vector.shape_cast %add3A_194 : vector<16xi32> to vector<16xi32>
    tpu.vector_store %arg8[%swap3A_195], %swap3A_198 {strides = array<i32>} : memref<128xi32, #tpu.memory_space<vmem>>, vector<16xi32>,
    %get3A_199 = arith.constant 96 : index
    %get3A_200 = tpu.vector_load %arg6[%get3A_199] {strides = array<i32>} : memref<256xf32, #tpu.memory_space<vmem>>, vector<16xf32>,
    %get3A_201 = vector.shape_cast %get3A_200 : vector<16xf32> to vector<16xf32>
    %convert_element_type3A_202 = arith.fptosi %get3A_201 : vector<16xf32> to vector<16xi32>
    %get3A_203 = arith.constant 96 : index
    %get3A_204 = tpu.vector_load %arg7[%get3A_203] {strides = array<i32>} : memref<256xf32, #tpu.memory_space<vmem>>, vector<16xf32>,
    %get3A_205 = vector.shape_cast %get3A_204 : vector<16xf32> to vector<16xf32>
    %convert_element_type3A_206 = arith.fptosi %get3A_205 : vector<16xf32> to vector<16xi32>
    %add3A_207 = arith.constant 96 : i32
    %add3A_208 = arith.addi %mul3A_0, %add3A_207 : i32
    %iota3A_209 = tpu.iota {dimensions = array<i32: 0>} : vector<16xi32>
    %add3A_210 = vector.broadcast %add3A_208 : i32 to vector<16xi32>
    %add3A_211 = arith.addi %add3A_210, %iota3A_209 : vector<16xi32>
    %mul3A_212 = arith.constant 16384 : i32
    %mul3A_213 = vector.broadcast %mul3A_212 : i32 to vector<16xi32>
    %mul3A_214 = arith.muli %add3A_211, %mul3A_213 : vector<16xi32>
    %mul3A_215 = arith.constant 128 : i32
    %mul3A_216 = vector.broadcast %mul3A_215 : i32 to vector<16xi32>
    %mul3A_217 = arith.muli %convert_element_type3A_206, %mul3A_216 : vector<16xi32>
    %add3A_218 = arith.addi %mul3A_214, %mul3A_217 : vector<16xi32>
    %add3A_219 = arith.addi %add3A_218, %convert_element_type3A_202 : vector<16xi32>
    %swap3A_220 = arith.constant 96 : index
    %swap3A_221 = tpu.vector_load %arg8[%swap3A_220] {strides = array<i32>} : memref<128xi32, #tpu.memory_space<vmem>>, vector<16xi32>,
    %swap3A_222 = vector.shape_cast %swap3A_221 : vector<16xi32> to vector<16xi32>
    %swap3A_223 = vector.shape_cast %add3A_219 : vector<16xi32> to vector<16xi32>
    tpu.vector_store %arg8[%swap3A_220], %swap3A_223 {strides = array<i32>} : memref<128xi32, #tpu.memory_space<vmem>>, vector<16xi32>,
    %get3A_224 = arith.constant 112 : index
    %get3A_225 = tpu.vector_load %arg6[%get3A_224] {strides = array<i32>} : memref<256xf32, #tpu.memory_space<vmem>>, vector<16xf32>,
    %get3A_226 = vector.shape_cast %get3A_225 : vector<16xf32> to vector<16xf32>
    %convert_element_type3A_227 = arith.fptosi %get3A_226 : vector<16xf32> to vector<16xi32>
    %get3A_228 = arith.constant 112 : index
    %get3A_229 = tpu.vector_load %arg7[%get3A_228] {strides = array<i32>} : memref<256xf32, #tpu.memory_space<vmem>>, vector<16xf32>,
    %get3A_230 = vector.shape_cast %get3A_229 : vector<16xf32> to vector<16xf32>
    %convert_element_type3A_231 = arith.fptosi %get3A_230 : vector<16xf32> to vector<16xi32>
    %add3A_232 = arith.constant 112 : i32
    %add3A_233 = arith.addi %mul3A_0, %add3A_232 : i32
    %iota3A_234 = tpu.iota {dimensions = array<i32: 0>} : vector<16xi32>
    %add3A_235 = vector.broadcast %add3A_233 : i32 to vector<16xi32>
    %add3A_236 = arith.addi %add3A_235, %iota3A_234 : vector<16xi32>
    %mul3A_237 = arith.constant 16384 : i32
    %mul3A_238 = vector.broadcast %mul3A_237 : i32 to vector<16xi32>
    %mul3A_239 = arith.muli %add3A_236, %mul3A_238 : vector<16xi32>
    %mul3A_240 = arith.constant 128 : i32
    %mul3A_241 = vector.broadcast %mul3A_240 : i32 to vector<16xi32>
    %mul3A_242 = arith.muli %convert_element_type3A_231, %mul3A_241 : vector<16xi32>
    %add3A_243 = arith.addi %mul3A_239, %mul3A_242 : vector<16xi32>
    %add3A_244 = arith.addi %add3A_243, %convert_element_type3A_227 : vector<16xi32>
    %swap3A_245 = arith.constant 112 : index
    %swap3A_246 = tpu.vector_load %arg8[%swap3A_245] {strides = array<i32>} : memref<128xi32, #tpu.memory_space<vmem>>, vector<16xi32>,
    %swap3A_247 = vector.shape_cast %swap3A_246 : vector<16xi32> to vector<16xi32>
    %swap3A_248 = vector.shape_cast %add3A_244 : vector<16xi32> to vector<16xi32>
    tpu.vector_store %arg8[%swap3A_245], %swap3A_248 {strides = array<i32>} : memref<128xi32, #tpu.memory_space<vmem>>, vector<16xi32>,
    %get3A_249 = arith.constant 128 : index
    %get3A_250 = tpu.vector_load %arg6[%get3A_249] {strides = array<i32>} : memref<256xf32, #tpu.memory_space<vmem>>, vector<16xf32>,
    %get3A_251 = vector.shape_cast %get3A_250 : vector<16xf32> to vector<16xf32>
    %convert_element_type3A_252 = arith.fptosi %get3A_251 : vector<16xf32> to vector<16xi32>
    %get3A_253 = arith.constant 128 : index
    %get3A_254 = tpu.vector_load %arg7[%get3A_253] {strides = array<i32>} : memref<256xf32, #tpu.memory_space<vmem>>, vector<16xf32>,
    %get3A_255 = vector.shape_cast %get3A_254 : vector<16xf32> to vector<16xf32>
    %convert_element_type3A_256 = arith.fptosi %get3A_255 : vector<16xf32> to vector<16xi32>
    %add3A_257 = arith.constant 128 : i32
    %add3A_258 = arith.addi %mul3A_0, %add3A_257 : i32
    %iota3A_259 = tpu.iota {dimensions = array<i32: 0>} : vector<16xi32>
    %add3A_260 = vector.broadcast %add3A_258 : i32 to vector<16xi32>
    %add3A_261 = arith.addi %add3A_260, %iota3A_259 : vector<16xi32>
    %mul3A_262 = arith.constant 16384 : i32
    %mul3A_263 = vector.broadcast %mul3A_262 : i32 to vector<16xi32>
    %mul3A_264 = arith.muli %add3A_261, %mul3A_263 : vector<16xi32>
    %mul3A_265 = arith.constant 128 : i32
    %mul3A_266 = vector.broadcast %mul3A_265 : i32 to vector<16xi32>
    %mul3A_267 = arith.muli %convert_element_type3A_256, %mul3A_266 : vector<16xi32>
    %add3A_268 = arith.addi %mul3A_264, %mul3A_267 : vector<16xi32>
    %add3A_269 = arith.addi %add3A_268, %convert_element_type3A_252 : vector<16xi32>
    %swap3A_270 = arith.constant 0 : index
    %swap3A_271 = tpu.vector_load %arg9[%swap3A_270] {strides = array<i32>} : memref<128xi32, #tpu.memory_space<vmem>>, vector<16xi32>,
    %swap3A_272 = vector.shape_cast %swap3A_271 : vector<16xi32> to vector<16xi32>
    %swap3A_273 = vector.shape_cast %add3A_269 : vector<16xi32> to vector<16xi32>
    tpu.vector_store %arg9[%swap3A_270], %swap3A_273 {strides = array<i32>} : memref<128xi32, #tpu.memory_space<vmem>>, vector<16xi32>,
    %get3A_274 = arith.constant 144 : index
    %get3A_275 = tpu.vector_load %arg6[%get3A_274] {strides = array<i32>} : memref<256xf32, #tpu.memory_space<vmem>>, vector<16xf32>,
    %get3A_276 = vector.shape_cast %get3A_275 : vector<16xf32> to vector<16xf32>
    %convert_element_type3A_277 = arith.fptosi %get3A_276 : vector<16xf32> to vector<16xi32>
    %get3A_278 = arith.constant 144 : index
    %get3A_279 = tpu.vector_load %arg7[%get3A_278] {strides = array<i32>} : memref<256xf32, #tpu.memory_space<vmem>>, vector<16xf32>,
    %get3A_280 = vector.shape_cast %get3A_279 : vector<16xf32> to vector<16xf32>
    %convert_element_type3A_281 = arith.fptosi %get3A_280 : vector<16xf32> to vector<16xi32>
    %add3A_282 = arith.constant 144 : i32
    %add3A_283 = arith.addi %mul3A_0, %add3A_282 : i32
    %iota3A_284 = tpu.iota {dimensions = array<i32: 0>} : vector<16xi32>
    %add3A_285 = vector.broadcast %add3A_283 : i32 to vector<16xi32>
    %add3A_286 = arith.addi %add3A_285, %iota3A_284 : vector<16xi32>
    %mul3A_287 = arith.constant 16384 : i32
    %mul3A_288 = vector.broadcast %mul3A_287 : i32 to vector<16xi32>
    %mul3A_289 = arith.muli %add3A_286, %mul3A_288 : vector<16xi32>
    %mul3A_290 = arith.constant 128 : i32
    %mul3A_291 = vector.broadcast %mul3A_290 : i32 to vector<16xi32>
    %mul3A_292 = arith.muli %convert_element_type3A_281, %mul3A_291 : vector<16xi32>
    %add3A_293 = arith.addi %mul3A_289, %mul3A_292 : vector<16xi32>
    %add3A_294 = arith.addi %add3A_293, %convert_element_type3A_277 : vector<16xi32>
    %swap3A_295 = arith.constant 16 : index
    %swap3A_296 = tpu.vector_load %arg9[%swap3A_295] {strides = array<i32>} : memref<128xi32, #tpu.memory_space<vmem>>, vector<16xi32>,
    %swap3A_297 = vector.shape_cast %swap3A_296 : vector<16xi32> to vector<16xi32>
    %swap3A_298 = vector.shape_cast %add3A_294 : vector<16xi32> to vector<16xi32>
    tpu.vector_store %arg9[%swap3A_295], %swap3A_298 {strides = array<i32>} : memref<128xi32, #tpu.memory_space<vmem>>, vector<16xi32>,
    %get3A_299 = arith.constant 160 : index
    %get3A_300 = tpu.vector_load %arg6[%get3A_299] {strides = array<i32>} : memref<256xf32, #tpu.memory_space<vmem>>, vector<16xf32>,
    %get3A_301 = vector.shape_cast %get3A_300 : vector<16xf32> to vector<16xf32>
    %convert_element_type3A_302 = arith.fptosi %get3A_301 : vector<16xf32> to vector<16xi32>
    %get3A_303 = arith.constant 160 : index
    %get3A_304 = tpu.vector_load %arg7[%get3A_303] {strides = array<i32>} : memref<256xf32, #tpu.memory_space<vmem>>, vector<16xf32>,
    %get3A_305 = vector.shape_cast %get3A_304 : vector<16xf32> to vector<16xf32>
    %convert_element_type3A_306 = arith.fptosi %get3A_305 : vector<16xf32> to vector<16xi32>
    %add3A_307 = arith.constant 160 : i32
    %add3A_308 = arith.addi %mul3A_0, %add3A_307 : i32
    %iota3A_309 = tpu.iota {dimensions = array<i32: 0>} : vector<16xi32>
    %add3A_310 = vector.broadcast %add3A_308 : i32 to vector<16xi32>
    %add3A_311 = arith.addi %add3A_310, %iota3A_309 : vector<16xi32>
    %mul3A_312 = arith.constant 16384 : i32
    %mul3A_313 = vector.broadcast %mul3A_312 : i32 to vector<16xi32>
    %mul3A_314 = arith.muli %add3A_311, %mul3A_313 : vector<16xi32>
    %mul3A_315 = arith.constant 128 : i32
    %mul3A_316 = vector.broadcast %mul3A_315 : i32 to vector<16xi32>
    %mul3A_317 = arith.muli %convert_element_type3A_306, %mul3A_316 : vector<16xi32>
    %add3A_318 = arith.addi %mul3A_314, %mul3A_317 : vector<16xi32>
    %add3A_319 = arith.addi %add3A_318, %convert_element_type3A_302 : vector<16xi32>
    %swap3A_320 = arith.constant 32 : index
    %swap3A_321 = tpu.vector_load %arg9[%swap3A_320] {strides = array<i32>} : memref<128xi32, #tpu.memory_space<vmem>>, vector<16xi32>,
    %swap3A_322 = vector.shape_cast %swap3A_321 : vector<16xi32> to vector<16xi32>
    %swap3A_323 = vector.shape_cast %add3A_319 : vector<16xi32> to vector<16xi32>
    tpu.vector_store %arg9[%swap3A_320], %swap3A_323 {strides = array<i32>} : memref<128xi32, #tpu.memory_space<vmem>>, vector<16xi32>,
    %get3A_324 = arith.constant 176 : index
    %get3A_325 = tpu.vector_load %arg6[%get3A_324] {strides = array<i32>} : memref<256xf32, #tpu.memory_space<vmem>>, vector<16xf32>,
    %get3A_326 = vector.shape_cast %get3A_325 : vector<16xf32> to vector<16xf32>
    %convert_element_type3A_327 = arith.fptosi %get3A_326 : vector<16xf32> to vector<16xi32>
    %get3A_328 = arith.constant 176 : index
    %get3A_329 = tpu.vector_load %arg7[%get3A_328] {strides = array<i32>} : memref<256xf32, #tpu.memory_space<vmem>>, vector<16xf32>,
    %get3A_330 = vector.shape_cast %get3A_329 : vector<16xf32> to vector<16xf32>
    %convert_element_type3A_331 = arith.fptosi %get3A_330 : vector<16xf32> to vector<16xi32>
    %add3A_332 = arith.constant 176 : i32
    %add3A_333 = arith.addi %mul3A_0, %add3A_332 : i32
    %iota3A_334 = tpu.iota {dimensions = array<i32: 0>} : vector<16xi32>
    %add3A_335 = vector.broadcast %add3A_333 : i32 to vector<16xi32>
    %add3A_336 = arith.addi %add3A_335, %iota3A_334 : vector<16xi32>
    %mul3A_337 = arith.constant 16384 : i32
    %mul3A_338 = vector.broadcast %mul3A_337 : i32 to vector<16xi32>
    %mul3A_339 = arith.muli %add3A_336, %mul3A_338 : vector<16xi32>
    %mul3A_340 = arith.constant 128 : i32
    %mul3A_341 = vector.broadcast %mul3A_340 : i32 to vector<16xi32>
    %mul3A_342 = arith.muli %convert_element_type3A_331, %mul3A_341 : vector<16xi32>
    %add3A_343 = arith.addi %mul3A_339, %mul3A_342 : vector<16xi32>
    %add3A_344 = arith.addi %add3A_343, %convert_element_type3A_327 : vector<16xi32>
    %swap3A_345 = arith.constant 48 : index
    %swap3A_346 = tpu.vector_load %arg9[%swap3A_345] {strides = array<i32>} : memref<128xi32, #tpu.memory_space<vmem>>, vector<16xi32>,
    %swap3A_347 = vector.shape_cast %swap3A_346 : vector<16xi32> to vector<16xi32>
    %swap3A_348 = vector.shape_cast %add3A_344 : vector<16xi32> to vector<16xi32>
    tpu.vector_store %arg9[%swap3A_345], %swap3A_348 {strides = array<i32>} : memref<128xi32, #tpu.memory_space<vmem>>, vector<16xi32>,
    %get3A_349 = arith.constant 192 : index
    %get3A_350 = tpu.vector_load %arg6[%get3A_349] {strides = array<i32>} : memref<256xf32, #tpu.memory_space<vmem>>, vector<16xf32>,
    %get3A_351 = vector.shape_cast %get3A_350 : vector<16xf32> to vector<16xf32>
    %convert_element_type3A_352 = arith.fptosi %get3A_351 : vector<16xf32> to vector<16xi32>
    %get3A_353 = arith.constant 192 : index
    %get3A_354 = tpu.vector_load %arg7[%get3A_353] {strides = array<i32>} : memref<256xf32, #tpu.memory_space<vmem>>, vector<16xf32>,
    %get3A_355 = vector.shape_cast %get3A_354 : vector<16xf32> to vector<16xf32>
    %convert_element_type3A_356 = arith.fptosi %get3A_355 : vector<16xf32> to vector<16xi32>
    %add3A_357 = arith.constant 192 : i32
    %add3A_358 = arith.addi %mul3A_0, %add3A_357 : i32
    %iota3A_359 = tpu.iota {dimensions = array<i32: 0>} : vector<16xi32>
    %add3A_360 = vector.broadcast %add3A_358 : i32 to vector<16xi32>
    %add3A_361 = arith.addi %add3A_360, %iota3A_359 : vector<16xi32>
    %mul3A_362 = arith.constant 16384 : i32
    %mul3A_363 = vector.broadcast %mul3A_362 : i32 to vector<16xi32>
    %mul3A_364 = arith.muli %add3A_361, %mul3A_363 : vector<16xi32>
    %mul3A_365 = arith.constant 128 : i32
    %mul3A_366 = vector.broadcast %mul3A_365 : i32 to vector<16xi32>
    %mul3A_367 = arith.muli %convert_element_type3A_356, %mul3A_366 : vector<16xi32>
    %add3A_368 = arith.addi %mul3A_364, %mul3A_367 : vector<16xi32>
    %add3A_369 = arith.addi %add3A_368, %convert_element_type3A_352 : vector<16xi32>
    %swap3A_370 = arith.constant 64 : index
    %swap3A_371 = tpu.vector_load %arg9[%swap3A_370] {strides = array<i32>} : memref<128xi32, #tpu.memory_space<vmem>>, vector<16xi32>,
    %swap3A_372 = vector.shape_cast %swap3A_371 : vector<16xi32> to vector<16xi32>
    %swap3A_373 = vector.shape_cast %add3A_369 : vector<16xi32> to vector<16xi32>
    tpu.vector_store %arg9[%swap3A_370], %swap3A_373 {strides = array<i32>} : memref<128xi32, #tpu.memory_space<vmem>>, vector<16xi32>,
    %get3A_374 = arith.constant 208 : index
    %get3A_375 = tpu.vector_load %arg6[%get3A_374] {strides = array<i32>} : memref<256xf32, #tpu.memory_space<vmem>>, vector<16xf32>,
    %get3A_376 = vector.shape_cast %get3A_375 : vector<16xf32> to vector<16xf32>
    %convert_element_type3A_377 = arith.fptosi %get3A_376 : vector<16xf32> to vector<16xi32>
    %get3A_378 = arith.constant 208 : index
    %get3A_379 = tpu.vector_load %arg7[%get3A_378] {strides = array<i32>} : memref<256xf32, #tpu.memory_space<vmem>>, vector<16xf32>,
    %get3A_380 = vector.shape_cast %get3A_379 : vector<16xf32> to vector<16xf32>
    %convert_element_type3A_381 = arith.fptosi %get3A_380 : vector<16xf32> to vector<16xi32>
    %add3A_382 = arith.constant 208 : i32
    %add3A_383 = arith.addi %mul3A_0, %add3A_382 : i32
    %iota3A_384 = tpu.iota {dimensions = array<i32: 0>} : vector<16xi32>
    %add3A_385 = vector.broadcast %add3A_383 : i32 to vector<16xi32>
    %add3A_386 = arith.addi %add3A_385, %iota3A_384 : vector<16xi32>
    %mul3A_387 = arith.constant 16384 : i32
    %mul3A_388 = vector.broadcast %mul3A_387 : i32 to vector<16xi32>
    %mul3A_389 = arith.muli %add3A_386, %mul3A_388 : vector<16xi32>
    %mul3A_390 = arith.constant 128 : i32
    %mul3A_391 = vector.broadcast %mul3A_390 : i32 to vector<16xi32>
    %mul3A_392 = arith.muli %convert_element_type3A_381, %mul3A_391 : vector<16xi32>
    %add3A_393 = arith.addi %mul3A_389, %mul3A_392 : vector<16xi32>
    %add3A_394 = arith.addi %add3A_393, %convert_element_type3A_377 : vector<16xi32>
    %swap3A_395 = arith.constant 80 : index
    %swap3A_396 = tpu.vector_load %arg9[%swap3A_395] {strides = array<i32>} : memref<128xi32, #tpu.memory_space<vmem>>, vector<16xi32>,
    %swap3A_397 = vector.shape_cast %swap3A_396 : vector<16xi32> to vector<16xi32>
    %swap3A_398 = vector.shape_cast %add3A_394 : vector<16xi32> to vector<16xi32>
    tpu.vector_store %arg9[%swap3A_395], %swap3A_398 {strides = array<i32>} : memref<128xi32, #tpu.memory_space<vmem>>, vector<16xi32>,
    %get3A_399 = arith.constant 224 : index
    %get3A_400 = tpu.vector_load %arg6[%get3A_399] {strides = array<i32>} : memref<256xf32, #tpu.memory_space<vmem>>, vector<16xf32>,
    %get3A_401 = vector.shape_cast %get3A_400 : vector<16xf32> to vector<16xf32>
    %convert_element_type3A_402 = arith.fptosi %get3A_401 : vector<16xf32> to vector<16xi32>
    %get3A_403 = arith.constant 224 : index
    %get3A_404 = tpu.vector_load %arg7[%get3A_403] {strides = array<i32>} : memref<256xf32, #tpu.memory_space<vmem>>, vector<16xf32>,
    %get3A_405 = vector.shape_cast %get3A_404 : vector<16xf32> to vector<16xf32>
    %convert_element_type3A_406 = arith.fptosi %get3A_405 : vector<16xf32> to vector<16xi32>
    %add3A_407 = arith.constant 224 : i32
    %add3A_408 = arith.addi %mul3A_0, %add3A_407 : i32
    %iota3A_409 = tpu.iota {dimensions = array<i32: 0>} : vector<16xi32>
    %add3A_410 = vector.broadcast %add3A_408 : i32 to vector<16xi32>
    %add3A_411 = arith.addi %add3A_410, %iota3A_409 : vector<16xi32>
    %mul3A_412 = arith.constant 16384 : i32
    %mul3A_413 = vector.broadcast %mul3A_412 : i32 to vector<16xi32>
    %mul3A_414 = arith.muli %add3A_411, %mul3A_413 : vector<16xi32>
    %mul3A_415 = arith.constant 128 : i32
    %mul3A_416 = vector.broadcast %mul3A_415 : i32 to vector<16xi32>
    %mul3A_417 = arith.muli %convert_element_type3A_406, %mul3A_416 : vector<16xi32>
    %add3A_418 = arith.addi %mul3A_414, %mul3A_417 : vector<16xi32>
    %add3A_419 = arith.addi %add3A_418, %convert_element_type3A_402 : vector<16xi32>
    %swap3A_420 = arith.constant 96 : index
    %swap3A_421 = tpu.vector_load %arg9[%swap3A_420] {strides = array<i32>} : memref<128xi32, #tpu.memory_space<vmem>>, vector<16xi32>,
    %swap3A_422 = vector.shape_cast %swap3A_421 : vector<16xi32> to vector<16xi32>
    %swap3A_423 = vector.shape_cast %add3A_419 : vector<16xi32> to vector<16xi32>
    tpu.vector_store %arg9[%swap3A_420], %swap3A_423 {strides = array<i32>} : memref<128xi32, #tpu.memory_space<vmem>>, vector<16xi32>,
    %get3A_424 = arith.constant 240 : index
    %get3A_425 = tpu.vector_load %arg6[%get3A_424] {strides = array<i32>} : memref<256xf32, #tpu.memory_space<vmem>>, vector<16xf32>,
    %get3A_426 = vector.shape_cast %get3A_425 : vector<16xf32> to vector<16xf32>
    %convert_element_type3A_427 = arith.fptosi %get3A_426 : vector<16xf32> to vector<16xi32>
    %get3A_428 = arith.constant 240 : index
    %get3A_429 = tpu.vector_load %arg7[%get3A_428] {strides = array<i32>} : memref<256xf32, #tpu.memory_space<vmem>>, vector<16xf32>,
    %get3A_430 = vector.shape_cast %get3A_429 : vector<16xf32> to vector<16xf32>
    %convert_element_type3A_431 = arith.fptosi %get3A_430 : vector<16xf32> to vector<16xi32>
    %add3A_432 = arith.constant 240 : i32
    %add3A_433 = arith.addi %mul3A_0, %add3A_432 : i32
    %iota3A_434 = tpu.iota {dimensions = array<i32: 0>} : vector<16xi32>
    %add3A_435 = vector.broadcast %add3A_433 : i32 to vector<16xi32>
    %add3A_436 = arith.addi %add3A_435, %iota3A_434 : vector<16xi32>
    %mul3A_437 = arith.constant 16384 : i32
    %mul3A_438 = vector.broadcast %mul3A_437 : i32 to vector<16xi32>
    %mul3A_439 = arith.muli %add3A_436, %mul3A_438 : vector<16xi32>
    %mul3A_440 = arith.constant 128 : i32
    %mul3A_441 = vector.broadcast %mul3A_440 : i32 to vector<16xi32>
    %mul3A_442 = arith.muli %convert_element_type3A_431, %mul3A_441 : vector<16xi32>
    %add3A_443 = arith.addi %mul3A_439, %mul3A_442 : vector<16xi32>
    %add3A_444 = arith.addi %add3A_443, %convert_element_type3A_427 : vector<16xi32>
    %swap3A_445 = arith.constant 112 : index
    %swap3A_446 = tpu.vector_load %arg9[%swap3A_445] {strides = array<i32>} : memref<128xi32, #tpu.memory_space<vmem>>, vector<16xi32>,
    %swap3A_447 = vector.shape_cast %swap3A_446 : vector<16xi32> to vector<16xi32>
    %swap3A_448 = vector.shape_cast %add3A_444 : vector<16xi32> to vector<16xi32>
    tpu.vector_store %arg9[%swap3A_445], %swap3A_448 {strides = array<i32>} : memref<128xi32, #tpu.memory_space<vmem>>, vector<16xi32>,
    %dma_start3A_449 = arith.constant 0 : i32
    %dma_start3A_450 = tpu.memref_slice %arg4[%dma_start3A_449] : memref<67108864xf32, #tpu.memory_space<hbm>> -> memref<67108864xf32, #tpu.memory_space<hbm>>
    tpu.enqueue_indirect_dma source(%arg10 : memref<128xf32, #tpu.memory_space<vmem>>) target(%dma_start3A_450 : memref<67108864xf32, #tpu.memory_space<hbm>>) offsets(%arg8 : memref<128xi32, #tpu.memory_space<vmem>>) semaphore(%arg12 : memref<!tpu.dma_semaphore, #tpu.memory_space<semaphore_mem>>)
    %dma_start3A_451 = arith.constant 0 : i32
    %dma_start3A_452 = tpu.memref_slice %arg4[%dma_start3A_451] : memref<67108864xf32, #tpu.memory_space<hbm>> -> memref<67108864xf32, #tpu.memory_space<hbm>>
    tpu.enqueue_indirect_dma source(%arg10 : memref<128xf32, #tpu.memory_space<vmem>>) target(%dma_start3A_452 : memref<67108864xf32, #tpu.memory_space<hbm>>) offsets(%arg9 : memref<128xi32, #tpu.memory_space<vmem>>) semaphore(%arg12 : memref<!tpu.dma_semaphore, #tpu.memory_space<semaphore_mem>>)
    %dma_wait3A_453 = arith.constant 0 : i32
    %dma_wait3A_454 = tpu.memref_slice %arg4[%dma_wait3A_453] : memref<67108864xf32, #tpu.memory_space<hbm>> -> memref<67108864xf32, #tpu.memory_space<hbm>>
    tpu.wait_indirect_dma semaphore(%arg12 : memref<!tpu.dma_semaphore, #tpu.memory_space<semaphore_mem>>) src(%arg10 : memref<128xf32, #tpu.memory_space<vmem>>) dst(%dma_wait3A_454 : memref<67108864xf32, #tpu.memory_space<hbm>>)
    %dma_wait3A_455 = arith.constant 0 : i32
    %dma_wait3A_456 = tpu.memref_slice %arg4[%dma_wait3A_455] : memref<67108864xf32, #tpu.memory_space<hbm>> -> memref<67108864xf32, #tpu.memory_space<hbm>>
    tpu.wait_indirect_dma semaphore(%arg12 : memref<!tpu.dma_semaphore, #tpu.memory_space<semaphore_mem>>) src(%arg10 : memref<128xf32, #tpu.memory_space<vmem>>) dst(%dma_wait3A_456 : memref<67108864xf32, #tpu.memory_space<hbm>>)
    return
  }
}

module attributes {stable_mosaic.version = 14 : i64} {
  func.func @_fill_body(%arg0: i32, %arg1: memref<64x1x128x128xf32, #tpu.memory_space<vmem>>) attributes {dimension_semantics = [#tpu.dimension_semantics<arbitrary>], iteration_bounds = array<i64: 64>, scalar_prefetch = 0 : i64, scratch_operands = 0 : i64, tpu.core_type = #tpu.core_type<tc>, window_params = [{transform_indices = @transform_0, window_bounds = array<i64: 64, 1, 128, 128>}]} {
    %iota3A = tpu.iota {dimensions = array<i32: 1>} : vector<64x128x128xi32>
    %mul3A = arith.constant 128 : i32
    %mul3A_0 = vector.broadcast %mul3A : i32 to vector<64x128x128xi32>
    %mul3A_1 = arith.muli %iota3A, %mul3A_0 : vector<64x128x128xi32>
    %iota3A_2 = tpu.iota {dimensions = array<i32: 2>} : vector<64x128x128xi32>
    %add3A = arith.addi %mul3A_1, %iota3A_2 : vector<64x128x128xi32>
    %eq3A = arith.constant 0 : i32
    %eq3A_3 = vector.broadcast %eq3A : i32 to vector<64x128x128xi32>
    %eq3A_4 = arith.cmpi eq, %add3A, %eq3A_3 : vector<64x128x128xi32>
    %jit3A = arith.constant 1.000000e+00 : f32
    %jit3A_5 = arith.constant 0.000000e+00 : f32
    %broadcast_in_dim3A = vector.broadcast %jit3A : f32 to vector<64x128x128xf32>
    %broadcast_in_dim3A_6 = vector.broadcast %jit3A_5 : f32 to vector<64x128x128xf32>
    %select_n3A = arith.select %eq3A_4, %broadcast_in_dim3A, %broadcast_in_dim3A_6 : vector<64x128x128xi1>, vector<64x128x128xf32>
    %reshape3A = vector.shape_cast %select_n3A : vector<64x128x128xf32> to vector<64x1x128x128xf32>
    %swap3A = arith.constant 0 : index
    %swap3A_7 = arith.constant 0 : index
    %swap3A_8 = arith.constant 0 : index
    %swap3A_9 = arith.constant 0 : index
    %swap3A_10 = vector.load %arg1[%swap3A, %swap3A_7, %swap3A_8, %swap3A_9] : memref<64x1x128x128xf32, #tpu.memory_space<vmem>>, vector<64x1x128x128xf32>
    tpu.vector_store %arg1[%swap3A, %swap3A_7, %swap3A_8, %swap3A_9], %reshape3A {strides = array<i32>} : memref<64x1x128x128xf32, #tpu.memory_space<vmem>>, vector<64x1x128x128xf32>,
    return
  }
  func.func @transform_0(%arg0: i32) -> (i32, i32, i32, i32) {
    %c0_i32 = arith.constant 0 : i32
    %c0_i32_0 = arith.constant 0 : i32
    %c0_i32_1 = arith.constant 0 : i32
    %c0_i32_2 = arith.constant 0 : i32
    return %arg0, %c0_i32, %c0_i32_0, %c0_i32_1 : i32, i32, i32, i32
  }
}

</mosaic_0001>

<sc_bundles>
// kernel: _run.4.cloned.1.call-start
scs
__scs_entry_jumppad:
0x0: {  	(pc) =	sbr.rel $0x88, $3  }
0x1: {  	(tag) =	ssettag $0x0;
	lr =	simm.s32 $0x1  }
0x2: {  	[smem:$0x3F9F] =	sst lr;
	_ =	strace $0xD0000000  }
0x3: {  	_ = 	snop  }
0x4: {  	_ = 	snop  }
0x5: {  	_ = 	snop  }
0x6: {  	_ = 	snop  }
0x7: {  	_ = 	snop  }
__scs_overlays_trampoline_lowered:
0x8: {  	[smem:$0x3FAE] =	sst s0  }
0x9: {  	[smem:$0x3FAF] =	sst s1  }
0xa: {  	[smem:$0x3FB0] =	sst s2  }
0xb: {  	[smem:$0x3FB1] =	sst s3  }
0xc: {  	[smem:$0x3FB2] =	sst s4  }
0xd: {  	[smem:$0x3FB3] =	sst s5  }
0xe: {  	[smem:$0x3FB4] =	sst s6  }
0xf: {  	[smem:$0x3FB5] =	sst s7  }
0x10: {  	[smem:$0x3FB6] =	sst s8  }
0x11: {  	[smem:$0x3FB7] =	sst s9;
	s0 =	simm.s32 @!p0 $0x0  }
0x12: {  	s1 =	sld [smem:$0x3F9D];
	s0 =	simm.s32 @p0 $0x1  }
0x13: {  	[smem:$0x3FB8] =	sst s0;
	s0 =	simm.s32 @!p1 $0x0  }
0x14: {  	s2 =	sld [smem:$0x3F9C];
	s0 =	simm.s32 @p1 $0x1  }
0x15: {  	[smem:$0x3FB9] =	sst s0;
	s0 =	simm.s32 @!p2 $0x0  }
0x16: {  	s3 =	sld [smem:$0x3FDB];
	s0 =	simm.s32 @p2 $0x1  }
0x17: {  	s4 =	simm.s32 $0x1BF5;
	[smem:$0x3FBB] =	sst s0  }
0x18: {  	s0 =	sld [smem:$0x3F9E];
	_ =	swait.ge [sflag:s4], $0x0  }
0x19: {  	s7 =	sld [smem:$0x3F9F]  }
0x1a: {  	s8 =	sadd.s32 $0xFFFFE003, lr  }
0x1b: {  	s9 =	sadd.s32 $0xFFFFFEF7, lr;
	s5 =	simm.s32 $0xFFFFFFFF;
	p2 =	slt.u32 s8, $0xFFFFF086  }
0x1c: {  	p1 =	slt.u32 s9, $0xF7A;
	s5 =	simm.s32 @!p2 $0x0  }
0x1d: {  	s5 =	simm.s32 @p1 $0x1;
	p0 =	seq.s32 s7, s2  }
0x1e: {  	s7 =	smul.u32 @!p0 $0xF7A, s2;
	p2 =	seq.s32 @!p0 s5, $0x0  }
0x1f: {  	s9 =	smul.u32 $0xF7A, s1;
	s8 =	simm.s32 @!p0 $0x1BF5;
	p2 =	por !p2, p0  }
0x20: {  	[sflag:s8] =	ssyncset.s32 @!p0 $0xFFFFF086;
	s6 =	sadd.s32 @!p0 s3, s7;
	s7 =	simm.s32 @!p0 $0x108  }
0x21: {  	s3 =	sadd.s32 s3, s9;
	s6 =	sadd.s32 @!p0 $0x88, s6;
	s7 =	simm.s32 @p2 $0x1082  }
0x22: {  	[simem:s7], [sflag:s8] =	dma.local @!p0 [hbm:s6], $0xF7A  }
0x23: {  	s9 =	sor.u32 $0xD0000000, s2;
	s6 =	simm.s32 $0x108;
	_ =	swait.ge @!p0 [sflag:s8], $0x0  }
0x24: {  	s3 =	sadd.s32 $0x88, s3;
	s6 =	simm.s32 @!p1 $0x1082;
	[sflag:s4] =	ssyncset.s32 $0xFFFFF086  }
0x25: {  	[simem:s6], [sflag:s4] =	dma.local [hbm:s3], $0xF7A  }
0x26: {  	[smem:$0x3F9F] =	sst s1;
	(tag) =	ssettag s2;
	_ =	strace s9  }
0x27: {  	s1 =	sld [smem:$0x3FAF]  }
0x28: {  	s2 =	sld [smem:$0x3FB0]  }
0x29: {  	s4 =	sld [smem:$0x3FB2]  }
0x2a: {  	p0 =	seq.s32 s5, $0x0;
	s5 =	sld [smem:$0x3FB3]  }
0x2b: {  	s6 =	sld [smem:$0x3FB4]  }
0x2c: {  	s7 =	sld [smem:$0x3FB5]  }
0x2d: {  	s3 =	simm.s32 $0x108;
	s8 =	sld [smem:$0x3FB6]  }
0x2e: {  	s3 =	simm.s32 @!p0 $0x1082;
	s9 =	sld [smem:$0x3FB7]  }
0x2f: {  	lr =	sadd.s32 s0, s3;
	s0 =	sld [smem:$0x3FAE]  }
0x30: {  	s3 =	sld [smem:$0x3FB1]  }
0x31: {  	[smem:$0x3FBA] =	sst s10  }
0x32: {  	s10 =	sld [smem:$0x3FB8];
	_ =	sdelay $0x3  }
0x33: {  	p0 =	seq.s32 s10, $0x1;
	s10 =	sld [smem:$0x3FBA];
	_ =	sdelay $0x3  }
0x34: {  	[smem:$0x3FBA] =	sst s10  }
0x35: {  	s10 =	sld [smem:$0x3FB9];
	_ =	sdelay $0x3  }
0x36: {  	p1 =	seq.s32 s10, $0x1;
	s10 =	sld [smem:$0x3FBA];
	_ =	sdelay $0x3  }
0x37: {  	[smem:$0x3FBA] =	sst s10  }
0x38: {  	s10 =	sld [smem:$0x3FBB]  }
0x39: {  	_ = 	snop;
	(pc) =	sbr.ind lr, $3  }
0x3a: {  	_ = 	snop  }
0x3b: {  	_ = 	snop  }
0x3c: {  	p2 =	seq.s32 s10, $0x1;
	s10 =	sld [smem:$0x3FBA]  }
0x3d: {  	_ =	shalt  }
0x3e: {  	_ =	shalt  }
0x3f: {  	_ =	shalt  }
0x40: {  	_ =	shalt  }
0x41: {  	_ =	shalt  }
0x42: {  	_ =	shalt  }
0x43: {  	_ =	shalt  }
0x44: {  	_ =	shalt  }
0x45: {  	_ =	shalt  }
0x46: {  	_ =	shalt  }
0x47: {  	_ =	shalt  }
0x48: {  	_ =	shalt  }
0x49: {  	_ =	shalt  }
0x4a: {  	_ =	shalt  }
0x4b: {  	_ =	shalt  }
0x4c: {  	_ =	shalt  }
0x4d: {  	_ =	shalt  }
0x4e: {  	_ =	shalt  }
0x4f: {  	_ =	shalt  }
0x50: {  	_ =	shalt  }
0x51: {  	_ =	shalt  }
0x52: {  	_ =	shalt  }
0x53: {  	_ =	shalt  }
0x54: {  	_ =	shalt  }
0x55: {  	_ =	shalt  }
0x56: {  	_ =	shalt  }
0x57: {  	_ =	shalt  }
0x58: {  	_ =	shalt  }
0x59: {  	_ =	shalt  }
0x5a: {  	_ =	shalt  }
0x5b: {  	_ =	shalt  }
0x5c: {  	_ =	shalt  }
0x5d: {  	_ =	shalt  }
0x5e: {  	_ =	shalt  }
0x5f: {  	_ =	shalt  }
0x60: {  	_ =	shalt  }
0x61: {  	_ =	shalt  }
0x62: {  	_ =	shalt  }
0x63: {  	_ =	shalt  }
0x64: {  	_ =	shalt  }
0x65: {  	_ =	shalt  }
0x66: {  	_ =	shalt  }
0x67: {  	_ =	shalt  }
0x68: {  	_ =	shalt  }
0x69: {  	_ =	shalt  }
0x6a: {  	_ =	shalt  }
0x6b: {  	_ =	shalt  }
0x6c: {  	_ =	shalt  }
0x6d: {  	_ =	shalt  }
0x6e: {  	_ =	shalt  }
0x6f: {  	_ =	shalt  }
0x70: {  	_ =	shalt  }
0x71: {  	_ =	shalt  }
0x72: {  	_ =	shalt  }
0x73: {  	_ =	shalt  }
0x74: {  	_ =	shalt  }
0x75: {  	_ =	shalt  }
0x76: {  	_ =	shalt  }
0x77: {  	_ =	shalt  }
0x78: {  	_ =	shalt  }
0x79: {  	_ =	shalt  }
0x7a: {  	_ =	shalt  }
0x7b: {  	_ =	shalt  }
0x7c: {  	_ =	shalt  }
0x7d: {  	_ =	shalt  }
0x7e: {  	_ =	shalt  }
0x7f: {  	_ =	shalt  }
0x80: {  	_ =	shalt  }
0x81: {  	_ =	shalt  }
0x82: {  	_ =	shalt  }
0x83: {  	_ =	shalt  }
0x84: {  	_ =	shalt  }
0x85: {  	_ =	shalt  }
0x86: {  	_ =	shalt  }
0x87: {  	_ =	shalt  }
.Lfunc_end0:
.L_simem_size_0:
called_computation_lowered:
.L_overlay_start_0:
0x88: {  	s0 =	sld [smem:$0x3FD9]  }
0x89: {  	s1 =	sld [smem:$0x3FFE];
	_ =	sdelay $0x3  }
0x8a: {  	s0 =	sadd.s32 s1, s0  }
0x8b: {  	[smem:$0x3FC6] =	sst s0  }
0x8c: {  	_ = 	snop  }
0x8d: {  	s0 =	sld [smem:$0x3FC9]  }
0x8e: {  	s17 =	sld [smem:$0x3FC8]  }
0x8f: {  	s2 =	sld [smem:$0x3FD0];
	(tm) =	ssettm $0x1  }
0x90: {  	s3 =	sld [smem:$0x3FFB];
	_ =	sdelay $0x3  }
0x91: {  	_ =	strace s3  }
0x92: {  	s3 =	sld [smem:$0x3FFC];
	_ =	sdelay $0x3  }
0x93: {  	_ =	strace s3  }
0x94: {  	s3 =	sld [smem:$0x3FFD];
	_ =	sdelay $0x3  }
0x95: {  	_ =	strace s3  }
0x96: {  	_ =	strace $0x8FFFFFFF  }
0x97: {  	s18 =	sld [smem:$0x3FDB];
	_ =	sdelay $0x1  }
0x98: {  	s4 =	simm.s32 $_scs_section_size  }
0x99: {  	s5 =	simm.s32 $_size__tile_overlayer_lowered;
	s6 =	simm.s32 $_tile_overlayer_lowered  }
0x9a: {  	s21 =	simm.s32 $0x1BFF;
	s20 =	sshll.u32 s6, $0x1;
	s3 =	sadd.s32 s4, s18  }
0x9b: {  	s7 =	simm.s32 $0x0;
	s19 =	sshll.u32 s5, $0x1;
	s5 =	sadd.s32 s20, s3  }
0x9c: {  	[timem:s7], [sflag:s21] =	dma.local [hbm:s5], s19  }
0x9d: {  	_ =	swait.ge [sflag:s21], s19  }
0x9e: {  	s4 =	ssub.s32 $0x0, s19;
	[sflag:s21] =	ssyncset.done $0x0  }
0x9f: {  	[sflag:s21] =	ssyncadd.s32 s4;
	_ =	sdelay $0x1  }
0xa0: {  	s22 =	simm.s32 $0x1B8B  }
0xa1: {  	_ =	swait.ge [sflag:s22], $0x1  }
0xa2: {  	[sflag:s22] =	ssyncset.done $0x0  }
0xa3: {  	s23 =	simm.s32 $0x1B8E;
	[sflag:s22] =	ssyncadd.s32 $0xFFFFFFFF  }
0xa4: {  	s24 =	simm.s32 $execute0_lowered;
	[smem:$0x3FD2] =	sst s23  }
0xa5: {  	s4 =	sshll.u32 s24, $0x1;
	_ =	strace $0x80000046;
	[dreg:$0x1] =	wrdreg $0xFFFFFFFF  }
0xa6: {  	s25 =	simm.s32 $_size_execute0_lowered;
	s3 =	sadd.s32 s3, s4;
	[dreg:$0x0] =	wrdreg $0x0  }
0xa7: {  	s4 =	sshll.u32 s25, $0x1;
	[dreg:$0x2] =	wrdreg s3  }
0xa8: {  	[dreg:$0x3] =	wrdreg s4  }
0xa9: {  	[dreg:$0x4] =	wrdreg $0xC0  }
0xaa: {  	_ =	task [dreg:s7], $0x5FFFF  }
0xab: {  	[dreg:$0x1] =	wrdreg $0xFFFFFFFF  }
0xac: {  	[dreg:$0x0] =	wrdreg $0x60  }
0xad: {  	[dreg:$0x2] =	wrdreg s0  }
0xae: {  	[dreg:$0x3] =	wrdreg s17  }
0xaf: {  	[dreg:$0x4] =	wrdreg s2  }
0xb0: {  	[dreg:$0x5] =	wrdreg $0x9  }
0xb1: {  	_ =	task.clear_ibuf [dreg:s7], $0x6FFFF;
	_ =	strace $0x90000046  }
0xb2: {  	s26 =	simm.s32 $0x9;
	_ =	strace $0x80000048  }
0xb3: {  	_ =	swait.ge [sflag:s26], $0x1  }
0xb4: {  	[sflag:s26] =	ssyncadd.s32 $0xFFFFFFFF  }
0xb5: {  	_ =	strace $0x90000048  }
0xb6: {  	_ =	sfence  }
0xb7: {  	s28 =	sld [smem:$0x0];
	_ =	sdelay $0x1  }
0xb8: {  	s29 =	srdreg.scid  }
0xb9: {  	s30 =	sshll.u32 s29, $0xD;
	s31 =	sshrl.u32 s29, $0x2  }
0xba: {  	s1 =	sand.u32 $0x1, s29;
	s2 =	sand.u32 $0x4000, s30;
	s0 =	sadd.s32 s31, s28  }
0xbb: {  	s1 =	sor.u32 s2, s1;
	s0 =	sshll.u32 s0, $0x11  }
0xbc: {  	s0 =	sor.u32 s0, s1  }
0xbd: {  	s0 =	sadd.s32 $0x8F2B, s0  }
0xbe: {  	[sflag:s0] =	ssyncadd.remote.s32 $0x1  }
0xbf: {  	_ =	sfence.sel $0xFFFF  }
0xc0: {  	[dreg:$0x0] =	wrdreg $0xFFFFFFFF;
	(pc) =	sbr.abs _section_cstart, $3  }
0xc1: {  	[dreg:$0x1] =	wrdreg $0xFFFFFFFF  }
0xc2: {  	_ =	task.clear_ibuf [dreg:s7], $0x2FFFF;
	_ =	strace $0x9FFFFFFF  }
0xc3: {  	(tm) =	ssettm $0x7FFFFFFF  }
tec
execute0_lowered:
.L_overlay_start_1:
0x0: {  	(tag) =	ssettag $0x1  }
0x1: {  	s3 =	rddreg [dreg:$0x0]  }
0x2: {  	s4 =	rddreg [dreg:$0x1]  }
0x3: {  	s2 =	rddreg [dreg:$0x2];
	s5 =	simm.s32 $0x0;
	s1 =	stileid.u32  }
0x4: {  	[smem:$0x7FF] =	sst s5;
	s6 =	sshll.u32 s1, $0x5  }
0x5: {  	s0 =	rddreg [dreg:$0x3];
	_ =	strace $0x80000047;
	s3 =	sadd.s32 s3, s6  }
0x6: {  	[tilespmem:s5], [sflag:$0x1] =	stream.linear.gather [hbm4b:s3+s5], $0x100, $0x38;
	[tilespmem:$0x380] =	vst v63  }
0x7: {  	s9 =	simm.s32 $0x100;
	s8 =	sadd.s32 s4, s6  }
0x8: {  	v0 =	vimm.f32 $-1.000000000e+00;
	[tilespmem:s9], [sflag:$0x1] =	stream.linear.gather [hbm4b:s8+s5], $0x100, $0x38;
	[tilespmem:$0x380] =	vst v63  }
0x9: {  	[tilespmem:$0x300] =	vst v0  }
0xa: {  	[tilespmem:$0x310] =	vst v0  }
0xb: {  	[tilespmem:$0x320] =	vst v0  }
0xc: {  	[tilespmem:$0x330] =	vst v0  }
0xd: {  	[tilespmem:$0x340] =	vst v0  }
0xe: {  	[tilespmem:$0x350] =	vst v0  }
0xf: {  	[tilespmem:$0x360] =	vst v0  }
0x10: {  	s15 =	simm.s32 $0x1;
	[tilespmem:$0x370] =	vst v0  }
0x11: {  	_ =	swait.ge [sflag:s15], $0x100  }
0x12: {  	[sflag:s15] =	ssyncset.done $0x0  }
0x13: {  	[sflag:s15] =	ssyncadd.s32 $0xFFFFFF00  }
0x14: {  	_ =	swait.ge [sflag:s15], $0x100  }
0x15: {  	[sflag:s15] =	ssyncset.done $0x0  }
0x16: {  	[sflag:s15] =	ssyncadd.s32 $0xFFFFFF00  }
0x17: {  	s10 =	sshll.u32 s1, $0x8;
	v52 =	vld [tilespmem:$0x100]  }
0x18: {  	v1 =	vlaneseq.u32;
	v2 =	vmov s10;
	s11 =	sor.u32 $0x10, s10;
	v16 =	vld [tilespmem:$0x0]  }
0x19: {  	v5 =	vmul.u32 $0x4000, v1;
	s12 =	sor.u32 $0x20, s10;
	s13 =	sor.u32 $0x30, s10;
	s14 =	sor.u32 $0x40, s10;
	v32 =	vshll.u32 v2, $0xE;
	v33 =	vmov s11;
	v18 =	vld [tilespmem:$0x110]  }
0x1a: {  	s16 =	sor.u32 $0x50, s10;
	s17 =	sor.u32 $0x60, s10;
	s18 =	sor.u32 $0x70, s10;
	v35 =	vmov s12;
	v37 =	vmov s13;
	v39 =	vmov s14;
	v19 =	vld [tilespmem:$0x10]  }
0x1b: {  	s19 =	sor.u32 $0x80, s10;
	s20 =	sor.u32 $0x90, s10;
	s21 =	sor.u32 $0xA0, s10;
	v41 =	vmov s16;
	v43 =	vmov s17;
	v45 =	vmov s18;
	v20 =	vld [tilespmem:$0x20]  }
0x1c: {  	s22 =	sor.u32 $0xB0, s10;
	s23 =	sor.u32 $0xC0, s10;
	s24 =	sor.u32 $0xD0, s10;
	v47 =	vmov s19;
	v49 =	vmov s20;
	v51 =	vmov s21;
	v23 =	vld [tilespmem:$0x120]  }
0x1d: {  	s25 =	sor.u32 $0xE0, s10;
	v54 =	vmov s22;
	v56 =	vmov s23;
	v58 =	vmov s24;
	v62 =	vld [tilespmem:$0x130]  }
0x1e: {  	v60 =	vmov s25;
	v6 =	vor.u32 v5, v32;
	v34 =	vshll.u32 v33, $0xE;
	v24 =	vld [tilespmem:$0x30]  }
0x1f: {  	v36 =	vshll.u32 v35, $0xE;
	v38 =	vshll.u32 v37, $0xE;
	v40 =	vshll.u32 v39, $0xE;
	v28 =	vld [tilespmem:$0x140]  }
0x20: {  	v42 =	vshll.u32 v41, $0xE;
	v44 =	vshll.u32 v43, $0xE;
	v46 =	vshll.u32 v45, $0xE;
	v30 =	vld [tilespmem:$0x40]  }
0x21: {  	v48 =	vshll.u32 v47, $0xE;
	v50 =	vshll.u32 v49, $0xE;
	v53 =	vshll.u32 v51, $0xE;
	v33 =	vld [tilespmem:$0x50]  }
0x22: {  	s3 =	sor.u32 $0xF0, s10;
	v55 =	vshll.u32 v54, $0xE;
	v57 =	vshll.u32 v56, $0xE;
	v59 =	vshll.u32 v58, $0xE;
	v39 =	vld [tilespmem:$0x60]  }
0x23: {  	v1 =	vshll.u32 v60, $0xE;
	v21 =	vmov s3;
	v7 =	vor.u32 v5, v34;
	v43 =	vld [tilespmem:$0x170]  }
0x24: {  	v8 =	vor.u32 v5, v36;
	v12 =	vor.u32 v5, v44;
	v44 =	vld [tilespmem:$0x70];
	v2 =	vtrunc.f32 v52  }
0x25: {  	v13 =	vor.u32 v5, v46;
	v46 =	vld [tilespmem:$0x80];
	v16 =	vtrunc.f32 v16;
	v18 =	vtrunc.f32 v18  }
0x26: {  	v17 =	vor.u32 v5, v53;
	v53 =	vld [tilespmem:$0x190];
	v25 =	vtrunc.f32 v19;
	v27 =	vtrunc.f32 v20  }
0x27: {  	v4 =	vor.u32 v5, v55;
	v55 =	vld [tilespmem:$0x1A0];
	v29 =	vtrunc.f32 v23;
	v32 =	vtrunc.f32 v62  }
0x28: {  	v10 =	vor.u32 v5, v40;
	v34 =	vtrunc.f32 v24;
	v19 =	vtrunc.f32 v28  }
0x29: {  	v11 =	vor.u32 v5, v42;
	v40 =	vtrunc.f32 v30;
	v42 =	vtrunc.f32 v33  }
0x2a: {  	v9 =	vor.u32 v5, v38;
	v47 =	vtrunc.f32 v39;
	v52 =	vtrunc.f32 v43  }
0x2b: {  	v3 =	vor.u32 v5, v57;
	v54 =	vtrunc.f32 v44;
	v57 =	vtrunc.f32 v46  }
0x2c: {  	v14 =	vor.u32 v5, v48;
	v62 =	vtrunc.f32 v53;
	v23 =	vtrunc.f32 v55  }
0x2d: {  	v15 =	vor.u32 v5, v50;
	v22 =	vcvt.f32.s32 v2;
	v16 =	vcvt.f32.s32 v16  }
0x2e: {  	v1 =	vor.u32 v5, v1;
	v18 =	vcvt.f32.s32 v18;
	v26 =	vcvt.f32.s32 v25  }
0x2f: {  	v61 =	vshll.u32 v21, $0xE;
	v35 =	vld [tilespmem:$0x150];
	v31 =	vcvt.f32.s32 v29;
	v20 =	vcvt.f32.s32 v32  }
0x30: {  	v0 =	vor.u32 v5, v59;
	v48 =	vld [tilespmem:$0x180];
	v36 =	vcvt.f32.s32 v34;
	v19 =	vcvt.f32.s32 v19  }
0x31: {  	v60 =	vld [tilespmem:$0x1B0];
	v2 =	vor.u32 v5, v61;
	v41 =	vcvt.f32.s32 v40;
	v49 =	vcvt.f32.s32 v47  }
0x32: {  	v56 =	vcvt.f32.s32 v54;
	v63 =	vshll.u32 v22, $0x7;
	v6 =	vadd.s32 v16, v6  }
0x33: {  	v58 =	vld [tilespmem:$0xA0];
	v18 =	vshll.u32 v18, $0x7;
	v16 =	vcvt.f32.s32 v27;
	v38 =	vshll.u32 v20, $0x7  }
0x34: {  	v37 =	vld [tilespmem:$0x160];
	v9 =	vadd.s32 v36, v9;
	v19 =	vshll.u32 v19, $0x7;
	v22 =	vtrunc.f32 v35  }
0x35: {  	v24 =	vld [tilespmem:$0xC0];
	v12 =	vadd.s32 v49, v12;
	v20 =	vtrunc.f32 v48;
	v27 =	vcvt.f32.s32 v23  }
0x36: {  	v35 =	vtrunc.f32 v60;
	v5 =	vadd.s32 v63, v6;
	v6 =	vadd.s32 v26, v7  }
0x37: {  	v7 =	vshll.u32 v31, $0x7;
	v45 =	vcvt.f32.s32 v22;
	v59 =	vcvt.f32.s32 v20  }
0x38: {  	v28 =	vld [tilespmem:$0x1C0];
	v26 =	vtrunc.f32 v58;
	v39 =	vcvt.f32.s32 v35;
	v6 =	vadd.s32 v18, v6  }
0x39: {  	v50 =	vld [tilespmem:$0x90];
	v8 =	vadd.s32 v16, v8;
	v16 =	vcvt.f32.s32 v42;
	v18 =	vtrunc.f32 v37  }
0x3a: {  	v32 =	vld [tilespmem:$0xD0];
	v31 =	vcvt.f32.s32 v26;
	v34 =	vshll.u32 v27, $0x7;
	v44 =	vtrunc.f32 v24  }
0x3b: {  	v7 =	vadd.s32 v7, v8;
	v8 =	vadd.s32 v38, v9;
	v9 =	vadd.s32 v41, v10  }
0x3c: {  	v18 =	vcvt.f32.s32 v18;
	v10 =	vshll.u32 v45, $0x7;
	v43 =	vshll.u32 v39, $0x7  }
0x3d: {  	v40 =	vld [tilespmem:$0xE0];
	v45 =	vtrunc.f32 v28;
	v47 =	vcvt.f32.s32 v44;
	v9 =	vadd.s32 v19, v9  }
0x3e: {  	v49 =	vld [tilespmem:$0x1F0];
	v11 =	vadd.s32 v16, v11;
	v16 =	vcvt.f32.s32 v57;
	v19 =	vtrunc.f32 v50  }
0x3f: {  	v63 =	vld [tilespmem:$0xB0];
	v37 =	vadd.s32 v31, v17;
	v48 =	vcvt.f32.s32 v45;
	v50 =	vtrunc.f32 v32  }
0x40: {  	v36 =	vld [tilespmem:$0x1D0];
	[tilespmem:$0x200] =	vst v5;
	v10 =	vadd.s32 v10, v11;
	v51 =	vshll.u32 v18, $0x7;
	v18 =	vcvt.f32.s32 v52  }
0x41: {  	v46 =	vld [tilespmem:$0xF0];
	[tilespmem:$0x220] =	vst v7;
	v61 =	vcvt.f32.s32 v19;
	v19 =	vcvt.f32.s32 v62;
	v7 =	vadd.s32 v34, v37  }
0x42: {  	[tilespmem:$0x240] =	vst v9;
	v9 =	vcvt.f32.s32 v50;
	v3 =	vadd.s32 v47, v3;
	v52 =	vtrunc.f32 v40  }
0x43: {  	[tilespmem:$0x210] =	vst v6;
	v57 =	vtrunc.f32 v49;
	v11 =	vadd.s32 v51, v12;
	v12 =	vadd.s32 v56, v13  }
0x44: {  	v42 =	vld [tilespmem:$0x1E0];
	[tilespmem:$0x230] =	vst v8;
	v13 =	vshll.u32 v59, $0x7;
	v14 =	vadd.s32 v16, v14;
	v38 =	vtrunc.f32 v63  }
0x45: {  	[tilespmem:$0x250] =	vst v10;
	v51 =	vtrunc.f32 v36;
	v10 =	vshll.u32 v48, $0x7;
	v5 =	vcvt.f32.s32 v52  }
0x46: {  	[tilespmem:$0x2A0] =	vst v7;
	v56 =	vtrunc.f32 v46;
	v59 =	vcvt.f32.s32 v57;
	v18 =	vshll.u32 v18, $0x7  }
0x47: {  	v29 =	vadd.s32 v13, v14;
	v30 =	vshll.u32 v19, $0x7;
	v33 =	vadd.s32 v61, v15;
	[tilespmem:$0x260] =	vst v11  }
0x48: {  	v41 =	vcvt.f32.s32 v38;
	v11 =	vcvt.f32.s32 v51;
	v3 =	vadd.s32 v10, v3;
	[tilespmem:$0x280] =	vst v29  }
0x49: {  	v53 =	vtrunc.f32 v42;
	v0 =	vadd.s32 v9, v0;
	v12 =	vadd.s32 v18, v12;
	[tilespmem:$0x2C0] =	vst v3  }
0x4a: {  	v58 =	vcvt.f32.s32 v56;
	v6 =	vadd.s32 v30, v33;
	v4 =	vadd.s32 v41, v4;
	[tilespmem:$0x270] =	vst v12  }
0x4b: {  	v54 =	vcvt.f32.s32 v53;
	[tilespmem:$0x290] =	vst v6;
	v55 =	vshll.u32 v11, $0x7;
	v4 =	vadd.s32 v43, v4  }
0x4c: {  	v62 =	vshll.u32 v59, $0x7;
	v2 =	vadd.s32 v58, v2;
	v0 =	vadd.s32 v55, v0;
	[tilespmem:$0x2B0] =	vst v4  }
0x4d: {  	v1 =	vadd.s32 v5, v1;
	v60 =	vshll.u32 v54, $0x7;
	v63 =	vadd.s32 v62, v2;
	[tilespmem:$0x2D0] =	vst v0  }
0x4e: {  	v61 =	vadd.s32 v60, v1;
	[tilespmem:$0x2F0] =	vst v63  }
0x4f: {  	s26 =	simm.s32 $0x80;
	s28 =	simm.s32 $0x200;
	s29 =	simm.s32 $0x300;
	[tilespmem:$0x2E0] =	vst v61  }
0x50: {  	[hbm4b:s2+s26] =	stream.indirect.scatter [tilespmem:s29], [sflag:$0x2], $0x1, s28, s26, $0xb8;
	[tilespmem:$0x380] =	vst v63  }
0x51: {  	s30 =	simm.s32 $0x280;
	s31 =	simm.s32 $0x2  }
0x52: {  	[hbm4b:s2+s26] =	stream.indirect.scatter [tilespmem:s29], [sflag:$0x2], $0x1, s30, s26, $0xb8;
	[tilespmem:$0x380] =	vst v63  }
0x53: {  	_ =	swait.ge [sflag:s31], $0x80  }
0x54: {  	[sflag:s31] =	ssyncset.done $0x0  }
0x55: {  	[sflag:s31] =	ssyncadd.s32 $0xFFFFFF80  }
0x56: {  	_ =	swait.ge [sflag:s31], $0x80  }
0x57: {  	[sflag:s31] =	ssyncset.done $0x0  }
0x58: {  	[sflag:s31] =	ssyncadd.s32 $0xFFFFFF80  }
0x59: {  	_ =	sfence.sel $0x180000  }
0x5a: {  	[bflag:$0x0] =	sbarrier.arrive $0xFFFF  }
0x5b: {  	p0 =	sne.s32 s1, $0x0;
	_ =	strace $0x90000047  }
0x5c: {  	s0 =	sadd.s32 @!p0 $0x100000, s0;
	[bflag:$0x2] =	sbarrier.arrive $0xFFFF  }
0x5d: {  	[sflag:s0] =	ssyncadd.tile.s32 @!p0 $0x1;
	_ =	shalt  }
.Lfunc_end2:
_tile_overlayer_lowered:
.L_overlay_start_2:
0x5e: {  	(tag) =	ssettag $0x2  }
0x5f: {  	s0 =	rddreg [dreg:$0x0];
	s2 =	stileid.u32  }
0x60: {  	s1 =	rddreg [dreg:$0x1];
	p0 =	sne.s32 s2, $0x0  }
0x61: {  	s3 =	rddreg [dreg:$0x2];
	[bflag:$0x3] =	sbarrier.arrive $0xFFFF;
	s2 =	simm.s32 @!p0 $0x1C03  }
0x62: {  	[timem:s3], [sflag:s2] =	dma.local @!p0 [hbm:s0], s1  }
0x63: {  	s0 =	simm.s32 @!p0 $0x3  }
0x64: {  	_ =	swait.ge @!p0 [sflag:s0], s1  }
0x65: {  	s1 =	ssub.s32 @!p0 $0x0, s1;
	[sflag:s0] =	ssyncset.done @!p0 $0x0  }
0x66: {  	[sflag:s0] =	ssyncadd.s32 @!p0 s1  }
0x67: {  	[bflag:$0x3] =	sbarrier.arrive $0xFFFF  }
0x68: {  	_ =	shalt  }

</sc_bundles>
